<compile_context>
chip_gen: v7x
topology: tpu7x:2x2x1
jax: 0.10.2.dev20260603
libtpu: 0.0.44.dev20260713+nightly
codegen_flags: <defaults>
</compile_context>

<pallas_src>
import functools

import jax
import jax.numpy as jnp
from jax import lax
from jax.experimental import pallas as pl
from jax.experimental.pallas import tpu as pltpu
from jax.experimental.pallas import tpu_sc as plsc

_N = 10000
_L = 16
_G = _N // _L
_U = 5
_GU = _G // _U


def _build():
    mesh = plsc.VectorSubcoreMesh(core_axis_name="c", subcore_axis_name="s")

    @functools.partial(
        pl.kernel,
        mesh=mesh,
        out_type=jax.ShapeDtypeStruct((_N,), jnp.int32),
        compiler_params=pltpu.CompilerParams(needs_layout_passes=False),
        scratch_types=[
            pltpu.VMEM((_N + _L,), jnp.int32),
            pltpu.VMEM((_N,), jnp.int32),
            pltpu.VMEM((_N + _L,), jnp.int32),
            pltpu.VMEM((_N,), jnp.int32),
            pltpu.VMEM((_N,), jnp.int32),
            pltpu.VMEM((_N,), jnp.int32),
            pltpu.VMEM((_N,), jnp.int32),
            pltpu.SemaphoreType.DMA,
        ],
    )
    def k(kl_hbm, vl_hbm, kr_hbm, vr_hbm, ids_hbm, zeros_hbm, out_hbm,
          kl_v, vl_v, kr_v, vr_v, wl_v, wr_v, mask_v, sem):
        cid = lax.axis_index("c")
        sid = lax.axis_index("s")

        @pl.when((cid == 0) & (sid == 0))
        def _():
            hs = [
                pltpu.async_copy(kl_hbm, kl_v.at[pl.ds(0, _N)], sem),
                pltpu.async_copy(vl_hbm, vl_v, sem),
                pltpu.async_copy(kr_hbm, kr_v.at[pl.ds(0, _N)], sem),
                pltpu.async_copy(vr_hbm, vr_v, sem),
                pltpu.async_copy(ids_hbm, wl_v, sem),
                pltpu.async_copy(ids_hbm, wr_v, sem),
                pltpu.async_copy(zeros_hbm, mask_v, sem),
            ]
            for h in hs:
                h.wait()
            lanes = lax.iota(jnp.int32, _L)
            sentinel = jnp.full((_L,), _N, jnp.int32)
            kl_v[pl.ds(_N, _L)] = sentinel
            kr_v[pl.ds(_N, _L)] = sentinel
            mask_v[pl.ds(0, _L)] = jnp.where(lanes == 0, jnp.int32(1), jnp.int32(0))

            def phase_a(g, c):
                for u in range(_U):
                    base = (g * _U + u) * _L
                    k1 = kl_v[pl.ds(base, _L)]
                    keep1 = k1 != kl_v[pl.ds(base + 1, _L)]
                    plsc.store_scatter(wl_v, [k1], vl_v[pl.ds(base, _L)], mask=keep1)
                    k2 = kr_v[pl.ds(base, _L)]
                    keep2 = k2 != kr_v[pl.ds(base + 1, _L)]
                    plsc.store_scatter(wr_v, [k2], vr_v[pl.ds(base, _L)], mask=keep2)
                return c

            lax.fori_loop(0, _GU, phase_a, jnp.int32(0))

            def sweep_body(g, ch):
                for u in range(_U):
                    base = (g * _U + u) * _L
                    cur = mask_v[pl.ds(base, _L)]
                    lv = plsc.load_gather(mask_v, [wl_v[pl.ds(base, _L)]])
                    rv = plsc.load_gather(mask_v, [wr_v[pl.ds(base, _L)]])
                    new = cur | lv | rv
                    mask_v[pl.ds(base, _L)] = new
                    ch = ch | (new ^ cur)
                return ch

            def w_cond(c):
                return c != 0

            def w_body(c):
                chv = lax.fori_loop(0, _GU, sweep_body, jnp.zeros(_L, jnp.int32))
                return jnp.max(chv)

            lax.while_loop(w_cond, w_body, jnp.int32(1))
            pltpu.sync_copy(mask_v, out_hbm)

    return k


_k = _build()


def kernel(thresholds, rules_left, rules_right, binary_ops, left, right):
    iota = jnp.arange(_N, dtype=jnp.int32)
    kl, vl = lax.sort((left, iota), num_keys=1, is_stable=False)
    kr, vr = lax.sort((right, iota), num_keys=1, is_stable=False)
    zeros = jnp.zeros(_N, jnp.int32)
    out = _k(kl, vl, kr, vr, iota, zeros)
    return out != 0

# --- scband reference (transcript-rebuilt; emitter-appended) ---
"""Pipeline reference for scband-daggenome-19026705121477 (READ-ONLY COPY).

The authoritative reference and input builder live on the scoring server;
editing this copy changes nothing except your own understanding.
"""

import jax, jax.numpy as jnp
import numpy as np

N = 10000


def setup_inputs(seed: int = 0) -> dict:
    key = jax.random.key(seed)
    ks = jax.random.split(key, 6)
    return {
        "thresholds": jax.random.normal(ks[0], (N,), dtype=jnp.float32),
        "rules_left": jax.random.randint(ks[1], (N,), 0, 36, dtype=jnp.int32),
        "rules_right": jax.random.randint(ks[2], (N,), 0, 36, dtype=jnp.int32),
        "binary_ops": jax.random.randint(ks[3], (N,), 0, 4, dtype=jnp.int32),
        "left": jax.random.randint(ks[4], (N,), 0, N, dtype=jnp.int32),
        "right": jax.random.randint(ks[5], (N,), 0, N, dtype=jnp.int32),
    }


def reference(thresholds, rules_left, rules_right, binary_ops, left, right):
    # Faithful port of DAGGenome.get_active_mask (the module's forward-style
    # computation): iterative reachability over the node DAG via scatter-set.
    n = thresholds.shape[0]
    left_valid = (left >= 0) & (left < n)
    right_valid = (right >= 0) & (right < n)
    safe_left = jnp.where(left_valid, left, 0)
    safe_right = jnp.where(right_valid, right, 0)

    def step(reachable, _):
        l = jnp.zeros(n, jnp.bool_).at[safe_left].set(reachable & left_valid)
        r = jnp.zeros(n, jnp.bool_).at[safe_right].set(reachable & right_valid)
        return (reachable | l | r, None)

    init = jnp.zeros(n, jnp.bool_).at[0].set(True)
    mask, _ = jax.lax.scan(step, init, None, length=n)
    return mask

if __name__ == "__main__":
    import jax
    _d = setup_inputs()
    print(jax.jit(kernel)(*tuple(_d.values())))

</pallas_src>

<mosaic_0001>
#map = affine_map<(d0, d1) -> (0)>
module attributes {stable_mosaic.version = 14 : i64} {
  func.func @k(%arg0: i32, %arg1: i32, %arg2: memref<10000xi32, #tpu.memory_space<hbm>>, %arg3: memref<10000xi32, #tpu.memory_space<hbm>>, %arg4: memref<10000xi32, #tpu.memory_space<hbm>>, %arg5: memref<10000xi32, #tpu.memory_space<hbm>>, %arg6: memref<10000xi32, #tpu.memory_space<hbm>>, %arg7: memref<10000xi32, #tpu.memory_space<hbm>>, %arg8: memref<10000xi32, #tpu.memory_space<hbm>>, %arg9: memref<10016xi32, #tpu.memory_space<vmem>>, %arg10: memref<10000xi32, #tpu.memory_space<vmem>>, %arg11: memref<10016xi32, #tpu.memory_space<vmem>>, %arg12: memref<10000xi32, #tpu.memory_space<vmem>>, %arg13: memref<10000xi32, #tpu.memory_space<vmem>>, %arg14: memref<10000xi32, #tpu.memory_space<vmem>>, %arg15: memref<10000xi32, #tpu.memory_space<vmem>>, %arg16: memref<!tpu.dma_semaphore, #tpu.memory_space<semaphore_mem>>) attributes {dimension_semantics = [#tpu.dimension_semantics<core_parallel>, #tpu.dimension_semantics<subcore_parallel>], iteration_bounds = array<i64: 2, 16>, scalar_prefetch = 0 : i64, scratch_operands = 8 : i64, tpu.core_type = #tpu.core_type<sc_vector_subcore>, window_params = [{transform_indices = #map}, {transform_indices = #map}, {transform_indices = #map}, {transform_indices = #map}, {transform_indices = #map}, {transform_indices = #map}, {transform_indices = #map}]} {
    %eq3A = arith.constant 0 : i32
    %eq3A_0 = arith.cmpi eq, %arg0, %eq3A : i32
    %eq3A_1 = arith.constant 0 : i32
    %eq3A_2 = arith.cmpi eq, %arg1, %eq3A_1 : i32
    %and3A = arith.andi %eq3A_0, %eq3A_2 : i1
    %convert_element_type3A = arith.extui %and3A : i1 to i32
    %cond3A = arith.constant 0 : i32
    %cond3A_3 = arith.cmpi ne, %convert_element_type3A, %cond3A : i32
    scf.if %cond3A_3 {
      %dma_start3A = arith.constant 0 : i32
      %dma_start3A_4 = tpu.memref_slice %arg9[%dma_start3A] : memref<10016xi32, #tpu.memory_space<vmem>> -> memref<10000xi32, #tpu.memory_space<vmem>>
      %dma_start3A_5 = arith.constant 0 : i32
      %dma_start3A_6 = tpu.memref_slice %arg9[%dma_start3A_5] : memref<10016xi32, #tpu.memory_space<vmem>> -> memref<10000xi32, #tpu.memory_space<vmem>>
      tpu.enqueue_dma source(%arg2 : memref<10000xi32, #tpu.memory_space<hbm>>) target(%dma_start3A_6 : memref<10000xi32, #tpu.memory_space<vmem>>) target_semaphore(%arg16 : memref<!tpu.dma_semaphore, #tpu.memory_space<semaphore_mem>>)
      tpu.enqueue_dma source(%arg3 : memref<10000xi32, #tpu.memory_space<hbm>>) target(%arg10 : memref<10000xi32, #tpu.memory_space<vmem>>) target_semaphore(%arg16 : memref<!tpu.dma_semaphore, #tpu.memory_space<semaphore_mem>>)
      %dma_start3A_7 = arith.constant 0 : i32
      %dma_start3A_8 = tpu.memref_slice %arg11[%dma_start3A_7] : memref<10016xi32, #tpu.memory_space<vmem>> -> memref<10000xi32, #tpu.memory_space<vmem>>
      %dma_start3A_9 = arith.constant 0 : i32
      %dma_start3A_10 = tpu.memref_slice %arg11[%dma_start3A_9] : memref<10016xi32, #tpu.memory_space<vmem>> -> memref<10000xi32, #tpu.memory_space<vmem>>
      tpu.enqueue_dma source(%arg4 : memref<10000xi32, #tpu.memory_space<hbm>>) target(%dma_start3A_10 : memref<10000xi32, #tpu.memory_space<vmem>>) target_semaphore(%arg16 : memref<!tpu.dma_semaphore, #tpu.memory_space<semaphore_mem>>)
      tpu.enqueue_dma source(%arg5 : memref<10000xi32, #tpu.memory_space<hbm>>) target(%arg12 : memref<10000xi32, #tpu.memory_space<vmem>>) target_semaphore(%arg16 : memref<!tpu.dma_semaphore, #tpu.memory_space<semaphore_mem>>)
      tpu.enqueue_dma source(%arg6 : memref<10000xi32, #tpu.memory_space<hbm>>) target(%arg13 : memref<10000xi32, #tpu.memory_space<vmem>>) target_semaphore(%arg16 : memref<!tpu.dma_semaphore, #tpu.memory_space<semaphore_mem>>)
      tpu.enqueue_dma source(%arg6 : memref<10000xi32, #tpu.memory_space<hbm>>) target(%arg14 : memref<10000xi32, #tpu.memory_space<vmem>>) target_semaphore(%arg16 : memref<!tpu.dma_semaphore, #tpu.memory_space<semaphore_mem>>)
      tpu.enqueue_dma source(%arg7 : memref<10000xi32, #tpu.memory_space<hbm>>) target(%arg15 : memref<10000xi32, #tpu.memory_space<vmem>>) target_semaphore(%arg16 : memref<!tpu.dma_semaphore, #tpu.memory_space<semaphore_mem>>)
      %dma_wait3A = arith.constant 0 : i32
      %dma_wait3A_11 = tpu.memref_slice %arg9[%dma_wait3A] : memref<10016xi32, #tpu.memory_space<vmem>> -> memref<10000xi32, #tpu.memory_space<vmem>>
      %dma_wait3A_12 = arith.constant 0 : i32
      %dma_wait3A_13 = tpu.memref_slice %arg9[%dma_wait3A_12] : memref<10016xi32, #tpu.memory_space<vmem>> -> memref<10000xi32, #tpu.memory_space<vmem>>
      tpu.wait_dma2 semaphore(%arg16 : memref<!tpu.dma_semaphore, #tpu.memory_space<semaphore_mem>>) src(%arg2 : memref<10000xi32, #tpu.memory_space<hbm>>) dst(%dma_wait3A_13 : memref<10000xi32, #tpu.memory_space<vmem>>)
      tpu.wait_dma2 semaphore(%arg16 : memref<!tpu.dma_semaphore, #tpu.memory_space<semaphore_mem>>) src(%arg3 : memref<10000xi32, #tpu.memory_space<hbm>>) dst(%arg10 : memref<10000xi32, #tpu.memory_space<vmem>>)
      %dma_wait3A_14 = arith.constant 0 : i32
      %dma_wait3A_15 = tpu.memref_slice %arg11[%dma_wait3A_14] : memref<10016xi32, #tpu.memory_space<vmem>> -> memref<10000xi32, #tpu.memory_space<vmem>>
      %dma_wait3A_16 = arith.constant 0 : i32
      %dma_wait3A_17 = tpu.memref_slice %arg11[%dma_wait3A_16] : memref<10016xi32, #tpu.memory_space<vmem>> -> memref<10000xi32, #tpu.memory_space<vmem>>
      tpu.wait_dma2 semaphore(%arg16 : memref<!tpu.dma_semaphore, #tpu.memory_space<semaphore_mem>>) src(%arg4 : memref<10000xi32, #tpu.memory_space<hbm>>) dst(%dma_wait3A_17 : memref<10000xi32, #tpu.memory_space<vmem>>)
      tpu.wait_dma2 semaphore(%arg16 : memref<!tpu.dma_semaphore, #tpu.memory_space<semaphore_mem>>) src(%arg5 : memref<10000xi32, #tpu.memory_space<hbm>>) dst(%arg12 : memref<10000xi32, #tpu.memory_space<vmem>>)
      tpu.wait_dma2 semaphore(%arg16 : memref<!tpu.dma_semaphore, #tpu.memory_space<semaphore_mem>>) src(%arg6 : memref<10000xi32, #tpu.memory_space<hbm>>) dst(%arg13 : memref<10000xi32, #tpu.memory_space<vmem>>)
      tpu.wait_dma2 semaphore(%arg16 : memref<!tpu.dma_semaphore, #tpu.memory_space<semaphore_mem>>) src(%arg6 : memref<10000xi32, #tpu.memory_space<hbm>>) dst(%arg14 : memref<10000xi32, #tpu.memory_space<vmem>>)
      tpu.wait_dma2 semaphore(%arg16 : memref<!tpu.dma_semaphore, #tpu.memory_space<semaphore_mem>>) src(%arg7 : memref<10000xi32, #tpu.memory_space<hbm>>) dst(%arg15 : memref<10000xi32, #tpu.memory_space<vmem>>)
      %iota3A = tpu.iota {dimensions = array<i32: 0>} : vector<16xi32>
      %broadcast_in_dim3A = arith.constant 10000 : i32
      %broadcast_in_dim3A_18 = vector.broadcast %broadcast_in_dim3A : i32 to vector<16xi32>
      %swap3A = arith.constant 10000 : index
      %swap3A_19 = tpu.vector_load %arg9[%swap3A] {strides = array<i32>} : memref<10016xi32, #tpu.memory_space<vmem>>, vector<16xi32>,
      tpu.vector_store %arg9[%swap3A], %broadcast_in_dim3A_18 {strides = array<i32>} : memref<10016xi32, #tpu.memory_space<vmem>>, vector<16xi32>,
      %swap3A_20 = arith.constant 10000 : index
      %swap3A_21 = tpu.vector_load %arg11[%swap3A_20] {strides = array<i32>} : memref<10016xi32, #tpu.memory_space<vmem>>, vector<16xi32>,
      tpu.vector_store %arg11[%swap3A_20], %broadcast_in_dim3A_18 {strides = array<i32>} : memref<10016xi32, #tpu.memory_space<vmem>>, vector<16xi32>,
      %eq3A_22 = arith.constant 0 : i32
      %eq3A_23 = vector.broadcast %eq3A_22 : i32 to vector<16xi32>
      %eq3A_24 = arith.cmpi eq, %iota3A, %eq3A_23 : vector<16xi32>
      %jit3A = arith.constant 1 : i32
      %jit3A_25 = arith.constant 0 : i32
      %broadcast_in_dim3A_26 = vector.broadcast %jit3A : i32 to vector<16xi32>
      %broadcast_in_dim3A_27 = vector.broadcast %jit3A_25 : i32 to vector<16xi32>
      %select_n3A = arith.select %eq3A_24, %broadcast_in_dim3A_26, %broadcast_in_dim3A_27 : vector<16xi1>, vector<16xi32>
      %swap3A_28 = arith.constant 0 : index
      %swap3A_29 = tpu.vector_load %arg15[%swap3A_28] {strides = array<i32>} : memref<10000xi32, #tpu.memory_space<vmem>>, vector<16xi32>,
      tpu.vector_store %arg15[%swap3A_28], %select_n3A {strides = array<i32>} : memref<10000xi32, #tpu.memory_space<vmem>>, vector<16xi32>,
      %scan3A = arith.constant 0 : i32
      %scan3A_30 = arith.constant 0 : i32
      %scan3A_31 = arith.constant 125 : i32
      %scan3A_32 = arith.addi %scan3A_30, %scan3A_31 : i32
      %scan3A_33 = arith.constant 1 : i32
      scf.for %scan3A_36 = %scan3A_30 to %scan3A_32 step %scan3A_33  : i32 {
        %mul3A = arith.constant 5 : i32
        %mul3A_37 = arith.muli %scan3A_36, %mul3A : i32
        %add3A = arith.constant 0 : i32
        %add3A_38 = arith.addi %mul3A_37, %add3A : i32
        %mul3A_39 = arith.constant 16 : i32
        %mul3A_40 = arith.muli %add3A_38, %mul3A_39 : i32
        %get3A = arith.index_cast %mul3A_40 : i32 to index
        %get3A_41 = tpu.vector_load %arg9[%get3A] {strides = array<i32>} : memref<10016xi32, #tpu.memory_space<vmem>>, vector<16xi32>,
        %add3A_42 = arith.constant 1 : i32
        %add3A_43 = arith.addi %mul3A_40, %add3A_42 : i32
        %get3A_44 = arith.index_cast %add3A_43 : i32 to index
        %get3A_45 = tpu.vector_load %arg9[%get3A_44] {strides = array<i32>} : memref<10016xi32, #tpu.memory_space<vmem>>, vector<16xi32>,
        %ne3A = arith.cmpi ne, %get3A_41, %get3A_45 : vector<16xi32>
        %get3A_46 = arith.index_cast %mul3A_40 : i32 to index
        %get3A_47 = tpu.vector_load %arg10[%get3A_46] {strides = array<i32>} : memref<10000xi32, #tpu.memory_space<vmem>>, vector<16xi32>,
        tpu.vector_store_idx %arg13[%get3A_41], %get3A_47 masked %ne3A : memref<10000xi32, #tpu.memory_space<vmem>>[vector<16xi32>], vector<16xi32>, vector<16xi1>
        %get3A_48 = arith.index_cast %mul3A_40 : i32 to index
        %get3A_49 = tpu.vector_load %arg11[%get3A_48] {strides = array<i32>} : memref<10016xi32, #tpu.memory_space<vmem>>, vector<16xi32>,
        %add3A_50 = arith.constant 1 : i32
        %add3A_51 = arith.addi %mul3A_40, %add3A_50 : i32
        %get3A_52 = arith.index_cast %add3A_51 : i32 to index
        %get3A_53 = tpu.vector_load %arg11[%get3A_52] {strides = array<i32>} : memref<10016xi32, #tpu.memory_space<vmem>>, vector<16xi32>,
        %ne3A_54 = arith.cmpi ne, %get3A_49, %get3A_53 : vector<16xi32>
        %get3A_55 = arith.index_cast %mul3A_40 : i32 to index
        %get3A_56 = tpu.vector_load %arg12[%get3A_55] {strides = array<i32>} : memref<10000xi32, #tpu.memory_space<vmem>>, vector<16xi32>,
        tpu.vector_store_idx %arg14[%get3A_49], %get3A_56 masked %ne3A_54 : memref<10000xi32, #tpu.memory_space<vmem>>[vector<16xi32>], vector<16xi32>, vector<16xi1>
        %mul3A_57 = arith.constant 5 : i32
        %mul3A_58 = arith.muli %scan3A_36, %mul3A_57 : i32
        %add3A_59 = arith.constant 1 : i32
        %add3A_60 = arith.addi %mul3A_58, %add3A_59 : i32
        %mul3A_61 = arith.constant 16 : i32
        %mul3A_62 = arith.muli %add3A_60, %mul3A_61 : i32
        %get3A_63 = arith.index_cast %mul3A_62 : i32 to index
        %get3A_64 = tpu.vector_load %arg9[%get3A_63] {strides = array<i32>} : memref<10016xi32, #tpu.memory_space<vmem>>, vector<16xi32>,
        %add3A_65 = arith.constant 1 : i32
        %add3A_66 = arith.addi %mul3A_62, %add3A_65 : i32
        %get3A_67 = arith.index_cast %add3A_66 : i32 to index
        %get3A_68 = tpu.vector_load %arg9[%get3A_67] {strides = array<i32>} : memref<10016xi32, #tpu.memory_space<vmem>>, vector<16xi32>,
        %ne3A_69 = arith.cmpi ne, %get3A_64, %get3A_68 : vector<16xi32>
        %get3A_70 = arith.index_cast %mul3A_62 : i32 to index
        %get3A_71 = tpu.vector_load %arg10[%get3A_70] {strides = array<i32>} : memref<10000xi32, #tpu.memory_space<vmem>>, vector<16xi32>,
        tpu.vector_store_idx %arg13[%get3A_64], %get3A_71 masked %ne3A_69 : memref<10000xi32, #tpu.memory_space<vmem>>[vector<16xi32>], vector<16xi32>, vector<16xi1>
        %get3A_72 = arith.index_cast %mul3A_62 : i32 to index
        %get3A_73 = tpu.vector_load %arg11[%get3A_72] {strides = array<i32>} : memref<10016xi32, #tpu.memory_space<vmem>>, vector<16xi32>,
        %add3A_74 = arith.constant 1 : i32
        %add3A_75 = arith.addi %mul3A_62, %add3A_74 : i32
        %get3A_76 = arith.index_cast %add3A_75 : i32 to index
        %get3A_77 = tpu.vector_load %arg11[%get3A_76] {strides = array<i32>} : memref<10016xi32, #tpu.memory_space<vmem>>, vector<16xi32>,
        %ne3A_78 = arith.cmpi ne, %get3A_73, %get3A_77 : vector<16xi32>
        %get3A_79 = arith.index_cast %mul3A_62 : i32 to index
        %get3A_80 = tpu.vector_load %arg12[%get3A_79] {strides = array<i32>} : memref<10000xi32, #tpu.memory_space<vmem>>, vector<16xi32>,
        tpu.vector_store_idx %arg14[%get3A_73], %get3A_80 masked %ne3A_78 : memref<10000xi32, #tpu.memory_space<vmem>>[vector<16xi32>], vector<16xi32>, vector<16xi1>
        %mul3A_81 = arith.constant 5 : i32
        %mul3A_82 = arith.muli %scan3A_36, %mul3A_81 : i32
        %add3A_83 = arith.constant 2 : i32
        %add3A_84 = arith.addi %mul3A_82, %add3A_83 : i32
        %mul3A_85 = arith.constant 16 : i32
        %mul3A_86 = arith.muli %add3A_84, %mul3A_85 : i32
        %get3A_87 = arith.index_cast %mul3A_86 : i32 to index
        %get3A_88 = tpu.vector_load %arg9[%get3A_87] {strides = array<i32>} : memref<10016xi32, #tpu.memory_space<vmem>>, vector<16xi32>,
        %add3A_89 = arith.constant 1 : i32
        %add3A_90 = arith.addi %mul3A_86, %add3A_89 : i32
        %get3A_91 = arith.index_cast %add3A_90 : i32 to index
        %get3A_92 = tpu.vector_load %arg9[%get3A_91] {strides = array<i32>} : memref<10016xi32, #tpu.memory_space<vmem>>, vector<16xi32>,
        %ne3A_93 = arith.cmpi ne, %get3A_88, %get3A_92 : vector<16xi32>
        %get3A_94 = arith.index_cast %mul3A_86 : i32 to index
        %get3A_95 = tpu.vector_load %arg10[%get3A_94] {strides = array<i32>} : memref<10000xi32, #tpu.memory_space<vmem>>, vector<16xi32>,
        tpu.vector_store_idx %arg13[%get3A_88], %get3A_95 masked %ne3A_93 : memref<10000xi32, #tpu.memory_space<vmem>>[vector<16xi32>], vector<16xi32>, vector<16xi1>
        %get3A_96 = arith.index_cast %mul3A_86 : i32 to index
        %get3A_97 = tpu.vector_load %arg11[%get3A_96] {strides = array<i32>} : memref<10016xi32, #tpu.memory_space<vmem>>, vector<16xi32>,
        %add3A_98 = arith.constant 1 : i32
        %add3A_99 = arith.addi %mul3A_86, %add3A_98 : i32
        %get3A_100 = arith.index_cast %add3A_99 : i32 to index
        %get3A_101 = tpu.vector_load %arg11[%get3A_100] {strides = array<i32>} : memref<10016xi32, #tpu.memory_space<vmem>>, vector<16xi32>,
        %ne3A_102 = arith.cmpi ne, %get3A_97, %get3A_101 : vector<16xi32>
        %get3A_103 = arith.index_cast %mul3A_86 : i32 to index
        %get3A_104 = tpu.vector_load %arg12[%get3A_103] {strides = array<i32>} : memref<10000xi32, #tpu.memory_space<vmem>>, vector<16xi32>,
        tpu.vector_store_idx %arg14[%get3A_97], %get3A_104 masked %ne3A_102 : memref<10000xi32, #tpu.memory_space<vmem>>[vector<16xi32>], vector<16xi32>, vector<16xi1>
        %mul3A_105 = arith.constant 5 : i32
        %mul3A_106 = arith.muli %scan3A_36, %mul3A_105 : i32
        %add3A_107 = arith.constant 3 : i32
        %add3A_108 = arith.addi %mul3A_106, %add3A_107 : i32
        %mul3A_109 = arith.constant 16 : i32
        %mul3A_110 = arith.muli %add3A_108, %mul3A_109 : i32
        %get3A_111 = arith.index_cast %mul3A_110 : i32 to index
        %get3A_112 = tpu.vector_load %arg9[%get3A_111] {strides = array<i32>} : memref<10016xi32, #tpu.memory_space<vmem>>, vector<16xi32>,
        %add3A_113 = arith.constant 1 : i32
        %add3A_114 = arith.addi %mul3A_110, %add3A_113 : i32
        %get3A_115 = arith.index_cast %add3A_114 : i32 to index
        %get3A_116 = tpu.vector_load %arg9[%get3A_115] {strides = array<i32>} : memref<10016xi32, #tpu.memory_space<vmem>>, vector<16xi32>,
        %ne3A_117 = arith.cmpi ne, %get3A_112, %get3A_116 : vector<16xi32>
        %get3A_118 = arith.index_cast %mul3A_110 : i32 to index
        %get3A_119 = tpu.vector_load %arg10[%get3A_118] {strides = array<i32>} : memref<10000xi32, #tpu.memory_space<vmem>>, vector<16xi32>,
        tpu.vector_store_idx %arg13[%get3A_112], %get3A_119 masked %ne3A_117 : memref<10000xi32, #tpu.memory_space<vmem>>[vector<16xi32>], vector<16xi32>, vector<16xi1>
        %get3A_120 = arith.index_cast %mul3A_110 : i32 to index
        %get3A_121 = tpu.vector_load %arg11[%get3A_120] {strides = array<i32>} : memref<10016xi32, #tpu.memory_space<vmem>>, vector<16xi32>,
        %add3A_122 = arith.constant 1 : i32
        %add3A_123 = arith.addi %mul3A_110, %add3A_122 : i32
        %get3A_124 = arith.index_cast %add3A_123 : i32 to index
        %get3A_125 = tpu.vector_load %arg11[%get3A_124] {strides = array<i32>} : memref<10016xi32, #tpu.memory_space<vmem>>, vector<16xi32>,
        %ne3A_126 = arith.cmpi ne, %get3A_121, %get3A_125 : vector<16xi32>
        %get3A_127 = arith.index_cast %mul3A_110 : i32 to index
        %get3A_128 = tpu.vector_load %arg12[%get3A_127] {strides = array<i32>} : memref<10000xi32, #tpu.memory_space<vmem>>, vector<16xi32>,
        tpu.vector_store_idx %arg14[%get3A_121], %get3A_128 masked %ne3A_126 : memref<10000xi32, #tpu.memory_space<vmem>>[vector<16xi32>], vector<16xi32>, vector<16xi1>
        %mul3A_129 = arith.constant 5 : i32
        %mul3A_130 = arith.muli %scan3A_36, %mul3A_129 : i32
        %add3A_131 = arith.constant 4 : i32
        %add3A_132 = arith.addi %mul3A_130, %add3A_131 : i32
        %mul3A_133 = arith.constant 16 : i32
        %mul3A_134 = arith.muli %add3A_132, %mul3A_133 : i32
        %get3A_135 = arith.index_cast %mul3A_134 : i32 to index
        %get3A_136 = tpu.vector_load %arg9[%get3A_135] {strides = array<i32>} : memref<10016xi32, #tpu.memory_space<vmem>>, vector<16xi32>,
        %add3A_137 = arith.constant 1 : i32
        %add3A_138 = arith.addi %mul3A_134, %add3A_137 : i32
        %get3A_139 = arith.index_cast %add3A_138 : i32 to index
        %get3A_140 = tpu.vector_load %arg9[%get3A_139] {strides = array<i32>} : memref<10016xi32, #tpu.memory_space<vmem>>, vector<16xi32>,
        %ne3A_141 = arith.cmpi ne, %get3A_136, %get3A_140 : vector<16xi32>
        %get3A_142 = arith.index_cast %mul3A_134 : i32 to index
        %get3A_143 = tpu.vector_load %arg10[%get3A_142] {strides = array<i32>} : memref<10000xi32, #tpu.memory_space<vmem>>, vector<16xi32>,
        tpu.vector_store_idx %arg13[%get3A_136], %get3A_143 masked %ne3A_141 : memref<10000xi32, #tpu.memory_space<vmem>>[vector<16xi32>], vector<16xi32>, vector<16xi1>
        %get3A_144 = arith.index_cast %mul3A_134 : i32 to index
        %get3A_145 = tpu.vector_load %arg11[%get3A_144] {strides = array<i32>} : memref<10016xi32, #tpu.memory_space<vmem>>, vector<16xi32>,
        %add3A_146 = arith.constant 1 : i32
        %add3A_147 = arith.addi %mul3A_134, %add3A_146 : i32
        %get3A_148 = arith.index_cast %add3A_147 : i32 to index
        %get3A_149 = tpu.vector_load %arg11[%get3A_148] {strides = array<i32>} : memref<10016xi32, #tpu.memory_space<vmem>>, vector<16xi32>,
        %ne3A_150 = arith.cmpi ne, %get3A_145, %get3A_149 : vector<16xi32>
        %get3A_151 = arith.index_cast %mul3A_134 : i32 to index
        %get3A_152 = tpu.vector_load %arg12[%get3A_151] {strides = array<i32>} : memref<10000xi32, #tpu.memory_space<vmem>>, vector<16xi32>,
        tpu.vector_store_idx %arg14[%get3A_145], %get3A_152 masked %ne3A_150 : memref<10000xi32, #tpu.memory_space<vmem>>[vector<16xi32>], vector<16xi32>, vector<16xi1>
      }
      %scan3A_34 = arith.constant 125 : i32
      %while3A = arith.constant 1 : i32
      %while3A_35 = scf.while (%while3A_36 = %while3A) : (i32) -> i32 {
        %ne3A = arith.constant 0 : i32
        %ne3A_37 = arith.cmpi ne, %while3A_36, %ne3A : i32
        scf.condition(%ne3A_37) %while3A_36 : i32
      } do {
      ^bb0(%while3A_36: i32):
        %broadcast_in_dim3A_37 = arith.constant 0 : i32
        %broadcast_in_dim3A_38 = vector.broadcast %broadcast_in_dim3A_37 : i32 to vector<16xi32>
        %scan3A_39 = arith.constant 0 : i32
        %scan3A_40 = arith.constant 125 : i32
        %scan3A_41 = arith.addi %scan3A_39, %scan3A_40 : i32
        %scan3A_42 = arith.constant 1 : i32
        %scan3A_43 = scf.for %scan3A_52 = %scan3A_39 to %scan3A_41 step %scan3A_42 iter_args(%scan3A_53 = %broadcast_in_dim3A_38) -> (vector<16xi32>)  : i32 {
          %mul3A = arith.constant 5 : i32
          %mul3A_54 = arith.muli %scan3A_52, %mul3A : i32
          %add3A = arith.constant 0 : i32
          %add3A_55 = arith.addi %mul3A_54, %add3A : i32
          %mul3A_56 = arith.constant 16 : i32
          %mul3A_57 = arith.muli %add3A_55, %mul3A_56 : i32
          %get3A = arith.index_cast %mul3A_57 : i32 to index
          %get3A_58 = tpu.vector_load %arg15[%get3A] {strides = array<i32>} : memref<10000xi32, #tpu.memory_space<vmem>>, vector<16xi32>,
          %get3A_59 = arith.index_cast %mul3A_57 : i32 to index
          %get3A_60 = tpu.vector_load %arg13[%get3A_59] {strides = array<i32>} : memref<10000xi32, #tpu.memory_space<vmem>>, vector<16xi32>,
          %gather3A = tpu.vector_load_idx %arg15[%get3A_60] : memref<10000xi32, #tpu.memory_space<vmem>>[vector<16xi32>], vector<16xi32>,
          %get3A_61 = arith.index_cast %mul3A_57 : i32 to index
          %get3A_62 = tpu.vector_load %arg14[%get3A_61] {strides = array<i32>} : memref<10000xi32, #tpu.memory_space<vmem>>, vector<16xi32>,
          %gather3A_63 = tpu.vector_load_idx %arg15[%get3A_62] : memref<10000xi32, #tpu.memory_space<vmem>>[vector<16xi32>], vector<16xi32>,
          %or3A = arith.ori %get3A_58, %gather3A : vector<16xi32>
          %or3A_64 = arith.ori %or3A, %gather3A_63 : vector<16xi32>
          %swap3A_65 = arith.index_cast %mul3A_57 : i32 to index
          %swap3A_66 = tpu.vector_load %arg15[%swap3A_65] {strides = array<i32>} : memref<10000xi32, #tpu.memory_space<vmem>>, vector<16xi32>,
          tpu.vector_store %arg15[%swap3A_65], %or3A_64 {strides = array<i32>} : memref<10000xi32, #tpu.memory_space<vmem>>, vector<16xi32>,
          %xor3A = arith.xori %or3A_64, %get3A_58 : vector<16xi32>
          %or3A_67 = arith.ori %scan3A_53, %xor3A : vector<16xi32>
          %mul3A_68 = arith.constant 5 : i32
          %mul3A_69 = arith.muli %scan3A_52, %mul3A_68 : i32
          %add3A_70 = arith.constant 1 : i32
          %add3A_71 = arith.addi %mul3A_69, %add3A_70 : i32
          %mul3A_72 = arith.constant 16 : i32
          %mul3A_73 = arith.muli %add3A_71, %mul3A_72 : i32
          %get3A_74 = arith.index_cast %mul3A_73 : i32 to index
          %get3A_75 = tpu.vector_load %arg15[%get3A_74] {strides = array<i32>} : memref<10000xi32, #tpu.memory_space<vmem>>, vector<16xi32>,
          %get3A_76 = arith.index_cast %mul3A_73 : i32 to index
          %get3A_77 = tpu.vector_load %arg13[%get3A_76] {strides = array<i32>} : memref<10000xi32, #tpu.memory_space<vmem>>, vector<16xi32>,
          %gather3A_78 = tpu.vector_load_idx %arg15[%get3A_77] : memref<10000xi32, #tpu.memory_space<vmem>>[vector<16xi32>], vector<16xi32>,
          %get3A_79 = arith.index_cast %mul3A_73 : i32 to index
          %get3A_80 = tpu.vector_load %arg14[%get3A_79] {strides = array<i32>} : memref<10000xi32, #tpu.memory_space<vmem>>, vector<16xi32>,
          %gather3A_81 = tpu.vector_load_idx %arg15[%get3A_80] : memref<10000xi32, #tpu.memory_space<vmem>>[vector<16xi32>], vector<16xi32>,
          %or3A_82 = arith.ori %get3A_75, %gather3A_78 : vector<16xi32>
          %or3A_83 = arith.ori %or3A_82, %gather3A_81 : vector<16xi32>
          %swap3A_84 = arith.index_cast %mul3A_73 : i32 to index
          %swap3A_85 = tpu.vector_load %arg15[%swap3A_84] {strides = array<i32>} : memref<10000xi32, #tpu.memory_space<vmem>>, vector<16xi32>,
          tpu.vector_store %arg15[%swap3A_84], %or3A_83 {strides = array<i32>} : memref<10000xi32, #tpu.memory_space<vmem>>, vector<16xi32>,
          %xor3A_86 = arith.xori %or3A_83, %get3A_75 : vector<16xi32>
          %or3A_87 = arith.ori %or3A_67, %xor3A_86 : vector<16xi32>
          %mul3A_88 = arith.constant 5 : i32
          %mul3A_89 = arith.muli %scan3A_52, %mul3A_88 : i32
          %add3A_90 = arith.constant 2 : i32
          %add3A_91 = arith.addi %mul3A_89, %add3A_90 : i32
          %mul3A_92 = arith.constant 16 : i32
          %mul3A_93 = arith.muli %add3A_91, %mul3A_92 : i32
          %get3A_94 = arith.index_cast %mul3A_93 : i32 to index
          %get3A_95 = tpu.vector_load %arg15[%get3A_94] {strides = array<i32>} : memref<10000xi32, #tpu.memory_space<vmem>>, vector<16xi32>,
          %get3A_96 = arith.index_cast %mul3A_93 : i32 to index
          %get3A_97 = tpu.vector_load %arg13[%get3A_96] {strides = array<i32>} : memref<10000xi32, #tpu.memory_space<vmem>>, vector<16xi32>,
          %gather3A_98 = tpu.vector_load_idx %arg15[%get3A_97] : memref<10000xi32, #tpu.memory_space<vmem>>[vector<16xi32>], vector<16xi32>,
          %get3A_99 = arith.index_cast %mul3A_93 : i32 to index
          %get3A_100 = tpu.vector_load %arg14[%get3A_99] {strides = array<i32>} : memref<10000xi32, #tpu.memory_space<vmem>>, vector<16xi32>,
          %gather3A_101 = tpu.vector_load_idx %arg15[%get3A_100] : memref<10000xi32, #tpu.memory_space<vmem>>[vector<16xi32>], vector<16xi32>,
          %or3A_102 = arith.ori %get3A_95, %gather3A_98 : vector<16xi32>
          %or3A_103 = arith.ori %or3A_102, %gather3A_101 : vector<16xi32>
          %swap3A_104 = arith.index_cast %mul3A_93 : i32 to index
          %swap3A_105 = tpu.vector_load %arg15[%swap3A_104] {strides = array<i32>} : memref<10000xi32, #tpu.memory_space<vmem>>, vector<16xi32>,
          tpu.vector_store %arg15[%swap3A_104], %or3A_103 {strides = array<i32>} : memref<10000xi32, #tpu.memory_space<vmem>>, vector<16xi32>,
          %xor3A_106 = arith.xori %or3A_103, %get3A_95 : vector<16xi32>
          %or3A_107 = arith.ori %or3A_87, %xor3A_106 : vector<16xi32>
          %mul3A_108 = arith.constant 5 : i32
          %mul3A_109 = arith.muli %scan3A_52, %mul3A_108 : i32
          %add3A_110 = arith.constant 3 : i32
          %add3A_111 = arith.addi %mul3A_109, %add3A_110 : i32
          %mul3A_112 = arith.constant 16 : i32
          %mul3A_113 = arith.muli %add3A_111, %mul3A_112 : i32
          %get3A_114 = arith.index_cast %mul3A_113 : i32 to index
          %get3A_115 = tpu.vector_load %arg15[%get3A_114] {strides = array<i32>} : memref<10000xi32, #tpu.memory_space<vmem>>, vector<16xi32>,
          %get3A_116 = arith.index_cast %mul3A_113 : i32 to index
          %get3A_117 = tpu.vector_load %arg13[%get3A_116] {strides = array<i32>} : memref<10000xi32, #tpu.memory_space<vmem>>, vector<16xi32>,
          %gather3A_118 = tpu.vector_load_idx %arg15[%get3A_117] : memref<10000xi32, #tpu.memory_space<vmem>>[vector<16xi32>], vector<16xi32>,
          %get3A_119 = arith.index_cast %mul3A_113 : i32 to index
          %get3A_120 = tpu.vector_load %arg14[%get3A_119] {strides = array<i32>} : memref<10000xi32, #tpu.memory_space<vmem>>, vector<16xi32>,
          %gather3A_121 = tpu.vector_load_idx %arg15[%get3A_120] : memref<10000xi32, #tpu.memory_space<vmem>>[vector<16xi32>], vector<16xi32>,
          %or3A_122 = arith.ori %get3A_115, %gather3A_118 : vector<16xi32>
          %or3A_123 = arith.ori %or3A_122, %gather3A_121 : vector<16xi32>
          %swap3A_124 = arith.index_cast %mul3A_113 : i32 to index
          %swap3A_125 = tpu.vector_load %arg15[%swap3A_124] {strides = array<i32>} : memref<10000xi32, #tpu.memory_space<vmem>>, vector<16xi32>,
          tpu.vector_store %arg15[%swap3A_124], %or3A_123 {strides = array<i32>} : memref<10000xi32, #tpu.memory_space<vmem>>, vector<16xi32>,
          %xor3A_126 = arith.xori %or3A_123, %get3A_115 : vector<16xi32>
          %or3A_127 = arith.ori %or3A_107, %xor3A_126 : vector<16xi32>
          %mul3A_128 = arith.constant 5 : i32
          %mul3A_129 = arith.muli %scan3A_52, %mul3A_128 : i32
          %add3A_130 = arith.constant 4 : i32
          %add3A_131 = arith.addi %mul3A_129, %add3A_130 : i32
          %mul3A_132 = arith.constant 16 : i32
          %mul3A_133 = arith.muli %add3A_131, %mul3A_132 : i32
          %get3A_134 = arith.index_cast %mul3A_133 : i32 to index
          %get3A_135 = tpu.vector_load %arg15[%get3A_134] {strides = array<i32>} : memref<10000xi32, #tpu.memory_space<vmem>>, vector<16xi32>,
          %get3A_136 = arith.index_cast %mul3A_133 : i32 to index
          %get3A_137 = tpu.vector_load %arg13[%get3A_136] {strides = array<i32>} : memref<10000xi32, #tpu.memory_space<vmem>>, vector<16xi32>,
          %gather3A_138 = tpu.vector_load_idx %arg15[%get3A_137] : memref<10000xi32, #tpu.memory_space<vmem>>[vector<16xi32>], vector<16xi32>,
          %get3A_139 = arith.index_cast %mul3A_133 : i32 to index
          %get3A_140 = tpu.vector_load %arg14[%get3A_139] {strides = array<i32>} : memref<10000xi32, #tpu.memory_space<vmem>>, vector<16xi32>,
          %gather3A_141 = tpu.vector_load_idx %arg15[%get3A_140] : memref<10000xi32, #tpu.memory_space<vmem>>[vector<16xi32>], vector<16xi32>,
          %or3A_142 = arith.ori %get3A_135, %gather3A_138 : vector<16xi32>
          %or3A_143 = arith.ori %or3A_142, %gather3A_141 : vector<16xi32>
          %swap3A_144 = arith.index_cast %mul3A_133 : i32 to index
          %swap3A_145 = tpu.vector_load %arg15[%swap3A_144] {strides = array<i32>} : memref<10000xi32, #tpu.memory_space<vmem>>, vector<16xi32>,
          tpu.vector_store %arg15[%swap3A_144], %or3A_143 {strides = array<i32>} : memref<10000xi32, #tpu.memory_space<vmem>>, vector<16xi32>,
          %xor3A_146 = arith.xori %or3A_143, %get3A_135 : vector<16xi32>
          %or3A_147 = arith.ori %or3A_127, %xor3A_146 : vector<16xi32>
          scf.yield %or3A_147 : vector<16xi32>
        }
        %scan3A_44 = arith.constant 125 : i32
        %reduce_max3A = arith.constant true
        %reduce_max3A_45 = vector.broadcast %reduce_max3A : i1 to vector<16xi1>
        %reduce_max3A_46 = arith.constant -2147483648 : i32
        %reduce_max3A_47 = vector.broadcast %reduce_max3A_46 : i32 to vector<16xi32>
        %reduce_max3A_48 = arith.xori %scan3A_43, %reduce_max3A_47 : vector<16xi32>
        %reduce_max3A_49 = tpu.scan <max>, %reduce_max3A_48 masked %reduce_max3A_45 : vector<16xi32>, vector<16xi1> -> vector<16xi32>
        %reduce_max3A_50 = arith.xori %reduce_max3A_49, %reduce_max3A_47 : vector<16xi32>
        %reduce_max3A_51 = vector.extract %reduce_max3A_50[15] : i32 from vector<16xi32>
        scf.yield %reduce_max3A_51 : i32
      }
      "tpu.region"() ({
        %run_scoped3A = tpu.sem_alloc : memref<!tpu.dma_semaphore, #tpu.memory_space<semaphore_mem>>
        tpu.enqueue_dma source(%arg15 : memref<10000xi32, #tpu.memory_space<vmem>>) target(%arg8 : memref<10000xi32, #tpu.memory_space<hbm>>) target_semaphore(%run_scoped3A : memref<!tpu.dma_semaphore, #tpu.memory_space<semaphore_mem>>)
        tpu.wait_dma2 semaphore(%run_scoped3A : memref<!tpu.dma_semaphore, #tpu.memory_space<semaphore_mem>>) src(%arg15 : memref<10000xi32, #tpu.memory_space<vmem>>) dst(%arg8 : memref<10000xi32, #tpu.memory_space<hbm>>)
        tpu.yield
      }) : () -> ()
    } else {
    }
    return
  }
}

</mosaic_0001>

<sc_bundles>
// kernel: kernel.3.cloned.1.call-start
scs
__scs_entry_jumppad:
0x0: {  	(pc) =	sbr.rel $0x88, $3  }
0x1: {  	(tag) =	ssettag $0x0;
	lr =	simm.s32 $0x1  }
0x2: {  	[smem:$0x3F9F] =	sst lr;
	_ =	strace $0xD0000000  }
0x3: {  	_ = 	snop  }
0x4: {  	_ = 	snop  }
0x5: {  	_ = 	snop  }
0x6: {  	_ = 	snop  }
0x7: {  	_ = 	snop  }
__scs_overlays_trampoline_lowered:
0x8: {  	[smem:$0x3FAE] =	sst s0  }
0x9: {  	[smem:$0x3FAF] =	sst s1  }
0xa: {  	[smem:$0x3FB0] =	sst s2  }
0xb: {  	[smem:$0x3FB1] =	sst s3  }
0xc: {  	[smem:$0x3FB2] =	sst s4  }
0xd: {  	[smem:$0x3FB3] =	sst s5  }
0xe: {  	[smem:$0x3FB4] =	sst s6  }
0xf: {  	[smem:$0x3FB5] =	sst s7  }
0x10: {  	[smem:$0x3FB6] =	sst s8  }
0x11: {  	[smem:$0x3FB7] =	sst s9;
	s0 =	simm.s32 @!p0 $0x0  }
0x12: {  	s1 =	sld [smem:$0x3F9D];
	s0 =	simm.s32 @p0 $0x1  }
0x13: {  	[smem:$0x3FB8] =	sst s0;
	s0 =	simm.s32 @!p1 $0x0  }
0x14: {  	s2 =	sld [smem:$0x3F9C];
	s0 =	simm.s32 @p1 $0x1  }
0x15: {  	[smem:$0x3FB9] =	sst s0;
	s0 =	simm.s32 @!p2 $0x0  }
0x16: {  	s3 =	sld [smem:$0x3FDB];
	s0 =	simm.s32 @p2 $0x1  }
0x17: {  	s4 =	simm.s32 $0x1BF5;
	[smem:$0x3FBB] =	sst s0  }
0x18: {  	s0 =	sld [smem:$0x3F9E];
	_ =	swait.ge [sflag:s4], $0x0  }
0x19: {  	s7 =	sld [smem:$0x3F9F]  }
0x1a: {  	s8 =	sadd.s32 $0xFFFFE003, lr  }
0x1b: {  	s9 =	sadd.s32 $0xFFFFFEF7, lr;
	s5 =	simm.s32 $0xFFFFFFFF;
	p2 =	slt.u32 s8, $0xFFFFF086  }
0x1c: {  	p1 =	slt.u32 s9, $0xF7A;
	s5 =	simm.s32 @!p2 $0x0  }
0x1d: {  	s5 =	simm.s32 @p1 $0x1;
	p0 =	seq.s32 s7, s2  }
0x1e: {  	s7 =	smul.u32 @!p0 $0xF7A, s2;
	p2 =	seq.s32 @!p0 s5, $0x0  }
0x1f: {  	s9 =	smul.u32 $0xF7A, s1;
	s8 =	simm.s32 @!p0 $0x1BF5;
	p2 =	por !p2, p0  }
0x20: {  	[sflag:s8] =	ssyncset.s32 @!p0 $0xFFFFF086;
	s6 =	sadd.s32 @!p0 s3, s7;
	s7 =	simm.s32 @!p0 $0x108  }
0x21: {  	s3 =	sadd.s32 s3, s9;
	s6 =	sadd.s32 @!p0 $0x88, s6;
	s7 =	simm.s32 @p2 $0x1082  }
0x22: {  	[simem:s7], [sflag:s8] =	dma.local @!p0 [hbm:s6], $0xF7A  }
0x23: {  	s9 =	sor.u32 $0xD0000000, s2;
	s6 =	simm.s32 $0x108;
	_ =	swait.ge @!p0 [sflag:s8], $0x0  }
0x24: {  	s3 =	sadd.s32 $0x88, s3;
	s6 =	simm.s32 @!p1 $0x1082;
	[sflag:s4] =	ssyncset.s32 $0xFFFFF086  }
0x25: {  	[simem:s6], [sflag:s4] =	dma.local [hbm:s3], $0xF7A  }
0x26: {  	[smem:$0x3F9F] =	sst s1;
	(tag) =	ssettag s2;
	_ =	strace s9  }
0x27: {  	s1 =	sld [smem:$0x3FAF]  }
0x28: {  	s2 =	sld [smem:$0x3FB0]  }
0x29: {  	s4 =	sld [smem:$0x3FB2]  }
0x2a: {  	p0 =	seq.s32 s5, $0x0;
	s5 =	sld [smem:$0x3FB3]  }
0x2b: {  	s6 =	sld [smem:$0x3FB4]  }
0x2c: {  	s7 =	sld [smem:$0x3FB5]  }
0x2d: {  	s3 =	simm.s32 $0x108;
	s8 =	sld [smem:$0x3FB6]  }
0x2e: {  	s3 =	simm.s32 @!p0 $0x1082;
	s9 =	sld [smem:$0x3FB7]  }
0x2f: {  	lr =	sadd.s32 s0, s3;
	s0 =	sld [smem:$0x3FAE]  }
0x30: {  	s3 =	sld [smem:$0x3FB1]  }
0x31: {  	[smem:$0x3FBA] =	sst s10  }
0x32: {  	s10 =	sld [smem:$0x3FB8];
	_ =	sdelay $0x3  }
0x33: {  	p0 =	seq.s32 s10, $0x1;
	s10 =	sld [smem:$0x3FBA];
	_ =	sdelay $0x3  }
0x34: {  	[smem:$0x3FBA] =	sst s10  }
0x35: {  	s10 =	sld [smem:$0x3FB9];
	_ =	sdelay $0x3  }
0x36: {  	p1 =	seq.s32 s10, $0x1;
	s10 =	sld [smem:$0x3FBA];
	_ =	sdelay $0x3  }
0x37: {  	[smem:$0x3FBA] =	sst s10  }
0x38: {  	s10 =	sld [smem:$0x3FBB]  }
0x39: {  	_ = 	snop;
	(pc) =	sbr.ind lr, $3  }
0x3a: {  	_ = 	snop  }
0x3b: {  	_ = 	snop  }
0x3c: {  	p2 =	seq.s32 s10, $0x1;
	s10 =	sld [smem:$0x3FBA]  }
0x3d: {  	_ =	shalt  }
0x3e: {  	_ =	shalt  }
0x3f: {  	_ =	shalt  }
0x40: {  	_ =	shalt  }
0x41: {  	_ =	shalt  }
0x42: {  	_ =	shalt  }
0x43: {  	_ =	shalt  }
0x44: {  	_ =	shalt  }
0x45: {  	_ =	shalt  }
0x46: {  	_ =	shalt  }
0x47: {  	_ =	shalt  }
0x48: {  	_ =	shalt  }
0x49: {  	_ =	shalt  }
0x4a: {  	_ =	shalt  }
0x4b: {  	_ =	shalt  }
0x4c: {  	_ =	shalt  }
0x4d: {  	_ =	shalt  }
0x4e: {  	_ =	shalt  }
0x4f: {  	_ =	shalt  }
0x50: {  	_ =	shalt  }
0x51: {  	_ =	shalt  }
0x52: {  	_ =	shalt  }
0x53: {  	_ =	shalt  }
0x54: {  	_ =	shalt  }
0x55: {  	_ =	shalt  }
0x56: {  	_ =	shalt  }
0x57: {  	_ =	shalt  }
0x58: {  	_ =	shalt  }
0x59: {  	_ =	shalt  }
0x5a: {  	_ =	shalt  }
0x5b: {  	_ =	shalt  }
0x5c: {  	_ =	shalt  }
0x5d: {  	_ =	shalt  }
0x5e: {  	_ =	shalt  }
0x5f: {  	_ =	shalt  }
0x60: {  	_ =	shalt  }
0x61: {  	_ =	shalt  }
0x62: {  	_ =	shalt  }
0x63: {  	_ =	shalt  }
0x64: {  	_ =	shalt  }
0x65: {  	_ =	shalt  }
0x66: {  	_ =	shalt  }
0x67: {  	_ =	shalt  }
0x68: {  	_ =	shalt  }
0x69: {  	_ =	shalt  }
0x6a: {  	_ =	shalt  }
0x6b: {  	_ =	shalt  }
0x6c: {  	_ =	shalt  }
0x6d: {  	_ =	shalt  }
0x6e: {  	_ =	shalt  }
0x6f: {  	_ =	shalt  }
0x70: {  	_ =	shalt  }
0x71: {  	_ =	shalt  }
0x72: {  	_ =	shalt  }
0x73: {  	_ =	shalt  }
0x74: {  	_ =	shalt  }
0x75: {  	_ =	shalt  }
0x76: {  	_ =	shalt  }
0x77: {  	_ =	shalt  }
0x78: {  	_ =	shalt  }
0x79: {  	_ =	shalt  }
0x7a: {  	_ =	shalt  }
0x7b: {  	_ =	shalt  }
0x7c: {  	_ =	shalt  }
0x7d: {  	_ =	shalt  }
0x7e: {  	_ =	shalt  }
0x7f: {  	_ =	shalt  }
0x80: {  	_ =	shalt  }
0x81: {  	_ =	shalt  }
0x82: {  	_ =	shalt  }
0x83: {  	_ =	shalt  }
0x84: {  	_ =	shalt  }
0x85: {  	_ =	shalt  }
0x86: {  	_ =	shalt  }
0x87: {  	_ =	shalt  }
.Lfunc_end0:
.L_simem_size_0:
called_computation_lowered:
.L_overlay_start_0:
0x88: {  	s2 =	sld [smem:$0x3FD9]  }
0x89: {  	s3 =	sld [smem:$0x3FFE];
	_ =	sdelay $0x1  }
0x8a: {  	s1 =	srdreg.scid  }
0x8b: {  	s0 =	sand.u32 $0x1, s1  }
0x8c: {  	s16 =	sshll.u32 s0, $0xA;
	s2 =	sadd.s32 s3, s2  }
0x8d: {  	s2 =	sadd.s32 s2, s16  }
0x8e: {  	[smem:$0x3FC6] =	sst s2  }
0x8f: {  	_ = 	snop  }
0x90: {  	(tm) =	ssettm $0x1  }
0x91: {  	s17 =	sld [smem:$0x3FFB];
	_ =	sdelay $0x3  }
0x92: {  	_ =	strace s17  }
0x93: {  	s2 =	sld [smem:$0x3FFC];
	_ =	sdelay $0x3  }
0x94: {  	_ =	strace s2  }
0x95: {  	s2 =	sld [smem:$0x3FFD];
	_ =	sdelay $0x3  }
0x96: {  	_ =	strace s2  }
0x97: {  	_ =	strace $0x8FFFFFFF  }
0x98: {  	s18 =	sld [smem:$0x3FDB];
	_ =	sdelay $0x1  }
0x99: {  	s19 =	simm.s32 $_scs_section_size  }
0x9a: {  	s4 =	simm.s32 $_size__tile_overlayer_lowered;
	s5 =	simm.s32 $_tile_overlayer_lowered  }
0x9b: {  	s22 =	simm.s32 $0x1BFF;
	s21 =	sshll.u32 s5, $0x1;
	s2 =	sadd.s32 s19, s18  }
0x9c: {  	s6 =	simm.s32 $0x0;
	s20 =	sshll.u32 s4, $0x1;
	s4 =	sadd.s32 s21, s2  }
0x9d: {  	[timem:s6], [sflag:s22] =	dma.local [hbm:s4], s20  }
0x9e: {  	_ =	swait.ge [sflag:s22], s20  }
0x9f: {  	s3 =	ssub.s32 $0x0, s20;
	[sflag:s22] =	ssyncset.done $0x0  }
0xa0: {  	[sflag:s22] =	ssyncadd.s32 s3;
	_ =	sdelay $0x1  }
0xa1: {  	s23 =	simm.s32 $0x1B8B  }
0xa2: {  	_ =	swait.ge [sflag:s23], $0x1  }
0xa3: {  	[sflag:s23] =	ssyncset.done $0x0  }
0xa4: {  	s25 =	simm.s32 $0x1B8E;
	s24 =	sld [smem:$0x3FFE];
	[sflag:s23] =	ssyncadd.s32 $0xFFFFFFFF  }
0xa5: {  	s26 =	simm.s32 $execute0_lowered;
	[smem:$0x3FD2] =	sst s25  }
0xa6: {  	s4 =	sshll.u32 s26, $0x1;
	_ =	strace $0x80000046;
	[dreg:$0x1] =	wrdreg $0xFFFFFFFF  }
0xa7: {  	s28 =	simm.s32 $_size_execute0_lowered;
	s2 =	sadd.s32 s2, s4;
	[dreg:$0x0] =	wrdreg $0x0  }
0xa8: {  	s4 =	sshll.u32 s28, $0x1;
	[dreg:$0x2] =	wrdreg s2  }
0xa9: {  	[dreg:$0x3] =	wrdreg s4  }
0xaa: {  	[dreg:$0x4] =	wrdreg $0xC0  }
0xab: {  	_ =	task [dreg:s6], $0x5FFFF  }
0xac: {  	[dreg:$0x1] =	wrdreg $0xFFFFFFFF  }
0xad: {  	[dreg:$0x0] =	wrdreg $0x60  }
0xae: {  	[dreg:$0x2] =	wrdreg s24  }
0xaf: {  	[dreg:$0x3] =	wrdreg $0x9  }
0xb0: {  	_ =	task.clear_ibuf [dreg:s6], $0x4FFFF;
	_ =	strace $0x90000046  }
0xb1: {  	s29 =	simm.s32 $0x9;
	_ =	strace $0x80000048  }
0xb2: {  	_ =	swait.ge [sflag:s29], $0x1  }
0xb3: {  	[sflag:s29] =	ssyncadd.s32 $0xFFFFFFFF  }
0xb4: {  	_ =	strace $0x90000048  }
0xb5: {  	_ =	sfence  }
0xb6: {  	s30 =	sld [smem:$0x0];
	_ =	sdelay $0x2  }
0xb7: {  	s31 =	sshll.u32 s1, $0xD;
	s1 =	sshrl.u32 s1, $0x2  }
0xb8: {  	s3 =	sand.u32 $0x4000, s31;
	s1 =	sadd.s32 s1, s30  }
0xb9: {  	s0 =	sor.u32 s3, s0;
	s1 =	sshll.u32 s1, $0x11  }
0xba: {  	s0 =	sor.u32 s1, s0  }
0xbb: {  	s0 =	sadd.s32 $0x8F2B, s0  }
0xbc: {  	[sflag:s0] =	ssyncadd.remote.s32 $0x1  }
0xbd: {  	_ =	sfence.sel $0xFFFF  }
0xbe: {  	[dreg:$0x0] =	wrdreg $0xFFFFFFFF;
	(pc) =	sbr.abs _section_cstart, $3  }
0xbf: {  	[dreg:$0x1] =	wrdreg $0xFFFFFFFF  }
0xc0: {  	_ =	task.clear_ibuf [dreg:s6], $0x2FFFF;
	_ =	strace $0x9FFFFFFF  }
0xc1: {  	(tm) =	ssettm $0x7FFFFFFF  }
tec
execute0_lowered:
.L_overlay_start_1:
0x0: {  	(tag) =	ssettag $0x1  }
0x1: {  	s0 =	srdreg.scid  }
0x2: {  	s6 =	sand.u32 $0x1, s0;
	s0 =	stileid.u32  }
0x3: {  	s3 =	sor.u32 s0, s6  }
0x4: {  	p0 =	sne.s32 s3, $0x0  }
.Ltmp0:
0x5: {  	_ = 	snop;
	(pc) =	sbr.rel @p0 .LBB2_7-.Ltmp0, $3  }
0x6: {  	_ =	sdelay $0x1  }
0x7: {  	s2 =	rddreg [dreg:$0x0]  }
0x8: {  	s1 =	rddreg [dreg:$0x1];
	_ =	strace $0x80000047  }
0x9: {  	s3 =	sadd.s32 $0x1200, s2  }
0xa: {  	s4 =	sadd.s32 $0x1800, s2;
	s5 =	sadd.s32 $0x600, s2;
	s9 =	ssub.s32 $0x2, s6  }
0xb: {  	s6 =	sadd.s32 $0xC00, s2;
	s7 =	sadd.s32 $0x1E00, s2;
	s8 =	sadd.s32 $0x2400, s2  }
0xc: {  	s11 =	simm.s32 $0x2780;
	s12 =	simm.s32 $0x4F00;
	s13 =	simm.s32 $0x7680  }
0xd: {  	s14 =	simm.s32 $0x9E00;
	s15 =	simm.s32 $0xC580;
	s16 =	simm.s32 $0xED00  }
0xe: {  	v1 =	vimm.s32 $0x0;
	vm0 =	vcmask $0x300;
	s17 =	simm.s32 $0x1;
	s18 =	simm.s32 $0x2;
	s10 =	sshrl.u32 s9, $0x1  }
0xf: {  	v0 =	vimm.s32 $0x2710;
	s19 =	simm.s32 $0x0;
	v1 =	vsel vm0, $0x1, v1;
	s9 =	ssub.s32 s9, s10;
	s10 =	simm.s32 $0x0  }
.LBB2_2:
0x10: {  	[tilespmem:s10], [sflag:$0x1] =	stream.linear.gather [hbm4b:s3+s10], $0x2710, $0x38;
	[tilespmem:$0x11480] =	vst v63  }
0x11: {  	_ = 	snop  }
0x12: {  	[tilespmem:s11], [sflag:$0x1] =	stream.linear.gather [hbm4b:s4+s10], $0x2780, $0x38;
	[tilespmem:$0x11480] =	vst v63  }
0x13: {  	_ = 	snop  }
0x14: {  	[tilespmem:s12], [sflag:$0x1] =	stream.linear.gather [hbm4b:s5+s10], $0x2710, $0x38;
	[tilespmem:$0x11480] =	vst v63  }
0x15: {  	_ = 	snop  }
0x16: {  	[tilespmem:s13], [sflag:$0x1] =	stream.linear.gather [hbm4b:s6+s10], $0x2780, $0x38;
	[tilespmem:$0x11480] =	vst v63  }
0x17: {  	_ = 	snop  }
0x18: {  	[tilespmem:s14], [sflag:$0x1] =	stream.linear.gather [hbm4b:s2+s10], $0x2780, $0x38;
	[tilespmem:$0x11480] =	vst v63  }
0x19: {  	_ = 	snop  }
0x1a: {  	[tilespmem:s15], [sflag:$0x1] =	stream.linear.gather [hbm4b:s2+s10], $0x2780, $0x38;
	[tilespmem:$0x11480] =	vst v63  }
0x1b: {  	_ = 	snop  }
0x1c: {  	[tilespmem:s16], [sflag:$0x1] =	stream.linear.gather [hbm4b:s7+s10], $0x2780, $0x38;
	[tilespmem:$0x11480] =	vst v63  }
0x1d: {  	_ =	swait.ge [sflag:s17], $0x2710  }
0x1e: {  	[sflag:s17] =	ssyncset.done $0x0  }
0x1f: {  	[sflag:s17] =	ssyncadd.s32 $0xFFFFD8F0  }
0x20: {  	_ =	swait.ge [sflag:s17], $0x2780  }
0x21: {  	[sflag:s17] =	ssyncset.done $0x0  }
0x22: {  	[sflag:s17] =	ssyncadd.s32 $0xFFFFD880  }
0x23: {  	_ =	swait.ge [sflag:s17], $0x2710  }
0x24: {  	[sflag:s17] =	ssyncset.done $0x0  }
0x25: {  	[sflag:s17] =	ssyncadd.s32 $0xFFFFD8F0  }
0x26: {  	_ =	swait.ge [sflag:s17], $0x2780  }
0x27: {  	[sflag:s17] =	ssyncset.done $0x0  }
0x28: {  	[sflag:s17] =	ssyncadd.s32 $0xFFFFD880  }
0x29: {  	_ =	swait.ge [sflag:s17], $0x2780  }
0x2a: {  	[sflag:s17] =	ssyncset.done $0x0  }
0x2b: {  	[sflag:s17] =	ssyncadd.s32 $0xFFFFD880  }
0x2c: {  	_ =	swait.ge [sflag:s17], $0x2780  }
0x2d: {  	[sflag:s17] =	ssyncset.done $0x0  }
0x2e: {  	[sflag:s17] =	ssyncadd.s32 $0xFFFFD880  }
0x2f: {  	_ =	swait.ge [sflag:s17], $0x2780  }
0x30: {  	[sflag:s17] =	ssyncset.done $0x0  }
0x31: {  	[sflag:s17] =	ssyncadd.s32 $0xFFFFD880  }
0x32: {  	[tilespmem:$0x2710] =	vst v0  }
0x33: {  	[tilespmem:$0x7610] =	vst v0  }
0x34: {  	s20 =	simm.s32 $0x0;
	[tilespmem:$0xED00] =	vst v1  }
.LBB2_3:
0x35: {  	s21 =	sshra.s32 s20, $0x2  }
0x36: {  	v2 =	vld [tilespmem:s21+$0x0]  }
0x37: {  	v3 =	vld [tilespmem:s21+$0x1];
	_ =	sdelay $0x4  }
0x38: {  	vm0 =	vne.s32 v2, v3  }
0x39: {  	v3 =	vld [tilespmem:s21+$0x2780];
	_ =	sdelay $0x4  }
0x3a: {  	[tilespmem:v2+s14+$0x0] =	vst.idx.msk vm0, v3  }
0x3b: {  	v2 =	vld [tilespmem:s21+$0x4F00]  }
0x3c: {  	v3 =	vld [tilespmem:s21+$0x4F01];
	_ =	sdelay $0x4  }
0x3d: {  	vm7 =	vne.s32 v2, v3  }
0x3e: {  	v3 =	vld [tilespmem:s21+$0x7680];
	_ =	sdelay $0x4  }
0x3f: {  	[tilespmem:v2+s15+$0x0] =	vst.idx.msk vm7, v3  }
0x40: {  	v2 =	vld [tilespmem:s21+$0x10]  }
0x41: {  	v3 =	vld [tilespmem:s21+$0x11];
	_ =	sdelay $0x4  }
0x42: {  	vm8 =	vne.s32 v2, v3  }
0x43: {  	v3 =	vld [tilespmem:s21+$0x2790];
	_ =	sdelay $0x4  }
0x44: {  	[tilespmem:v2+s14+$0x0] =	vst.idx.msk vm8, v3  }
0x45: {  	v2 =	vld [tilespmem:s21+$0x4F10]  }
0x46: {  	v3 =	vld [tilespmem:s21+$0x4F11];
	_ =	sdelay $0x4  }
0x47: {  	vm9 =	vne.s32 v2, v3  }
0x48: {  	v3 =	vld [tilespmem:s21+$0x7690];
	_ =	sdelay $0x4  }
0x49: {  	[tilespmem:v2+s15+$0x0] =	vst.idx.msk vm9, v3  }
0x4a: {  	v2 =	vld [tilespmem:s21+$0x20]  }
0x4b: {  	v3 =	vld [tilespmem:s21+$0x21];
	_ =	sdelay $0x4  }
0x4c: {  	vm10 =	vne.s32 v2, v3  }
0x4d: {  	v3 =	vld [tilespmem:s21+$0x27A0];
	_ =	sdelay $0x4  }
0x4e: {  	[tilespmem:v2+s14+$0x0] =	vst.idx.msk vm10, v3  }
0x4f: {  	v2 =	vld [tilespmem:s21+$0x4F20]  }
0x50: {  	v3 =	vld [tilespmem:s21+$0x4F21];
	_ =	sdelay $0x4  }
0x51: {  	vm11 =	vne.s32 v2, v3  }
0x52: {  	v3 =	vld [tilespmem:s21+$0x76A0];
	_ =	sdelay $0x4  }
0x53: {  	[tilespmem:v2+s15+$0x0] =	vst.idx.msk vm11, v3  }
0x54: {  	v2 =	vld [tilespmem:s21+$0x30]  }
0x55: {  	v3 =	vld [tilespmem:s21+$0x31];
	_ =	sdelay $0x4  }
0x56: {  	vm12 =	vne.s32 v2, v3  }
0x57: {  	v3 =	vld [tilespmem:s21+$0x27B0];
	_ =	sdelay $0x4  }
0x58: {  	[tilespmem:v2+s14+$0x0] =	vst.idx.msk vm12, v3  }
0x59: {  	v2 =	vld [tilespmem:s21+$0x4F30]  }
0x5a: {  	v3 =	vld [tilespmem:s21+$0x4F31];
	_ =	sdelay $0x4  }
0x5b: {  	vm13 =	vne.s32 v2, v3  }
0x5c: {  	v3 =	vld [tilespmem:s21+$0x76B0];
	_ =	sdelay $0x4  }
0x5d: {  	[tilespmem:v2+s15+$0x0] =	vst.idx.msk vm13, v3  }
0x5e: {  	v2 =	vld [tilespmem:s21+$0x40]  }
0x5f: {  	v3 =	vld [tilespmem:s21+$0x41];
	_ =	sdelay $0x4  }
0x60: {  	vm14 =	vne.s32 v2, v3  }
0x61: {  	v3 =	vld [tilespmem:s21+$0x27C0];
	_ =	sdelay $0x4  }
0x62: {  	[tilespmem:v2+s14+$0x0] =	vst.idx.msk vm14, v3  }
0x63: {  	v2 =	vld [tilespmem:s21+$0x4F40]  }
0x64: {  	v3 =	vld [tilespmem:s21+$0x4F41];
	_ =	sdelay $0x4  }
0x65: {  	vm15 =	vne.s32 v2, v3  }
0x66: {  	p0 =	sne.s32 s20, $0x9B00;
	v3 =	vld [tilespmem:s21+$0x76C0]  }
.Ltmp1:
0x67: {  	_ = 	snop;
	(pc) =	sbr.rel @p0 .LBB2_3-.Ltmp1, $2  }
0x68: {  	_ =	sdelay $0x2  }
0x69: {  	s20 =	sadd.s32 $0x140, s20;
	[tilespmem:v2+s15+$0x0] =	vst.idx.msk vm15, v3  }
0x6a: {  	s20 =	simm.s32 $0x0;
	v2 =	vimm.s32 $0x0  }
.LBB2_5:
0x6b: {  	s21 =	smul.u32 $0x50, s20;
	_ =	sdelay $0x1  }
0x6c: {  	v3 =	vld [tilespmem:s21+$0x9E00]  }
0x6d: {  	v4 =	vld [tilespmem:s21+$0xC580];
	_ =	sdelay $0x4  }
0x6e: {  	v5 =	vld [tilespmem:s21+$0xED00]  }
0x6f: {  	v6 =	vld [tilespmem:s21+$0x9E10]  }
0x70: {  	v3 =	vld.idx.msk [tilespmem:v3+s16+$0x0], $0xffff  }
0x71: {  	v4 =	vld.idx.msk [tilespmem:v4+s16+$0x0], $0xffff  }
0x72: {  	v7 =	vld [tilespmem:s21+$0xC590];
	_ =	sdelay $0x3  }
0x73: {  	v3 =	vor.u32 v4, v3  }
0x74: {  	v56 =	vld [tilespmem:s21+$0xED10];
	v3 =	vor.u32 v5, v3  }
0x75: {  	v8 =	vld [tilespmem:s21+$0x9E20];
	[tilespmem:s21+$0xED00] =	vst v3  }
0x76: {  	v6 =	vld.idx.msk [tilespmem:v6+s16+$0x0], $0xffff  }
0x77: {  	v7 =	vld.idx.msk [tilespmem:v7+s16+$0x0], $0xffff  }
0x78: {  	v9 =	vld [tilespmem:s21+$0xC5A0];
	_ =	sdelay $0x3  }
0x79: {  	v6 =	vor.u32 v7, v6  }
0x7a: {  	v57 =	vld [tilespmem:s21+$0xED20];
	v6 =	vor.u32 v56, v6  }
0x7b: {  	v10 =	vld [tilespmem:s21+$0x9E30];
	[tilespmem:s21+$0xED10] =	vst v6  }
0x7c: {  	v8 =	vld.idx.msk [tilespmem:v8+s16+$0x0], $0xffff  }
0x7d: {  	v9 =	vld.idx.msk [tilespmem:v9+s16+$0x0], $0xffff  }
0x7e: {  	v11 =	vld [tilespmem:s21+$0xC5B0];
	_ =	sdelay $0x3  }
0x7f: {  	v8 =	vor.u32 v9, v8  }
0x80: {  	v58 =	vld [tilespmem:s21+$0xED30];
	v8 =	vor.u32 v57, v8  }
0x81: {  	v12 =	vld [tilespmem:s21+$0x9E40];
	[tilespmem:s21+$0xED20] =	vst v8  }
0x82: {  	v10 =	vld.idx.msk [tilespmem:v10+s16+$0x0], $0xffff  }
0x83: {  	v11 =	vld.idx.msk [tilespmem:v11+s16+$0x0], $0xffff  }
0x84: {  	v13 =	vld [tilespmem:s21+$0xC5C0];
	_ =	sdelay $0x3  }
0x85: {  	v10 =	vor.u32 v11, v10  }
0x86: {  	v10 =	vor.u32 v58, v10  }
0x87: {  	[tilespmem:s21+$0xED30] =	vst v10  }
0x88: {  	v59 =	vld.idx.msk [tilespmem:v12+s16+$0x0], $0xffff  }
0x89: {  	v60 =	vld.idx.msk [tilespmem:v13+s16+$0x0], $0xffff  }
0x8a: {  	v61 =	vld [tilespmem:s21+$0xED40];
	_ =	sdelay $0x1  }
0x8b: {  	v3 =	vxor.u32 v5, v3  }
0x8c: {  	v2 =	vor.u32 v2, v3;
	v4 =	vxor.u32 v56, v6  }
0x8d: {  	v2 =	vor.u32 v4, v2;
	v3 =	vxor.u32 v57, v8;
	v62 =	vor.u32 v60, v59  }
0x8e: {  	v2 =	vor.u32 v3, v2;
	v63 =	vxor.u32 v58, v10;
	v5 =	vor.u32 v61, v62  }
0x8f: {  	s20 =	sadd.s32 $0x1, s20;
	v2 =	vor.u32 v63, v2;
	v3 =	vxor.u32 v61, v5  }
0x90: {  	p0 =	sne.s32 s20, $0x7D;
	v2 =	vor.u32 v3, v2  }
0x91: {  	v3 =	vxor.u32 @!p0 $0x80000000, v2  }
0x92: {  	(xrf0) =	vmax.scan.msk.u32 @!p0 $0xffff, v3;
	_ =	sdelay $0x5  }
0x93: {  	v3, _, _ =	vpop @!p0 (xrf0)  }
0x94: {  	(v2sf) =	vpush @!p0 v3, $0xF;
	_ =	sdelay $0xe  }
0x95: {  	s22 =	spop @!p0 (v2sf)  }
0x96: {  	p1 =	sne.s32 @!p0 s22, $0x80000000  }
0x97: {  	p1 =	por p0, p1  }
.Ltmp2:
0x98: {  	_ = 	snop;
	(pc) =	sbr.rel @p1 .LBB2_5-.Ltmp2, $2  }
0x99: {  	_ =	sdelay $0x2  }
0x9a: {  	s20 =	simm.s32 @!p0 $0x0;
	[tilespmem:s21+$0xED40] =	vst v5;
	v2 =	vpsel !p0, $0x0, v2  }
0x9b: {  	s19 =	sadd.s32 $0x1, s19  }
0x9c: {  	p0 =	sne.s32 s19, s9  }
.Ltmp3:
0x9d: {  	_ = 	snop;
	(pc) =	sbr.rel @p0 .LBB2_2-.Ltmp3, $4  }
0x9e: {  	[hbm4b:s8+s10] =	stream.linear.scatter [tilespmem:s16], [sflag:$0x2], $0x2780, $0x38;
	[tilespmem:$0x11480] =	vst v63  }
0x9f: {  	_ =	swait.ge [sflag:s18], $0x2780  }
0xa0: {  	[sflag:s18] =	ssyncset.done $0x0  }
0xa1: {  	[sflag:s18] =	ssyncadd.s32 $0xFFFFD880  }
.LBB2_7:
0xa2: {  	_ =	sfence.sel $0x180000  }
0xa3: {  	[bflag:$0x0] =	sbarrier.arrive $0xFFFF  }
0xa4: {  	p0 =	sne.s32 s0, $0x0;
	_ =	strace $0x90000047  }
0xa5: {  	s0 =	sadd.s32 @!p0 $0x100000, s1;
	[bflag:$0x2] =	sbarrier.arrive $0xFFFF  }
0xa6: {  	[sflag:s0] =	ssyncadd.tile.s32 @!p0 $0x1;
	_ =	shalt  }
.Lfunc_end2:
_tile_overlayer_lowered:
.L_overlay_start_2:
0xa7: {  	(tag) =	ssettag $0x2  }
0xa8: {  	s0 =	rddreg [dreg:$0x0];
	s2 =	stileid.u32  }
0xa9: {  	s1 =	rddreg [dreg:$0x1];
	p0 =	sne.s32 s2, $0x0  }
0xaa: {  	s3 =	rddreg [dreg:$0x2];
	[bflag:$0x3] =	sbarrier.arrive $0xFFFF;
	s2 =	simm.s32 @!p0 $0x1C02  }
0xab: {  	[timem:s3], [sflag:s2] =	dma.local @!p0 [hbm:s0], s1  }
0xac: {  	s0 =	simm.s32 @!p0 $0x2  }
0xad: {  	_ =	swait.ge @!p0 [sflag:s0], s1  }
0xae: {  	s1 =	ssub.s32 @!p0 $0x0, s1;
	[sflag:s0] =	ssyncset.done @!p0 $0x0  }
0xaf: {  	[sflag:s0] =	ssyncadd.s32 @!p0 s1  }
0xb0: {  	[bflag:$0x3] =	sbarrier.arrive $0xFFFF  }
0xb1: {  	_ =	shalt  }

</sc_bundles>
